<compile_context>
chip_gen: v7x
topology: tpu7x:2x2x1
jax: 0.10.2.dev20260603
libtpu: 0.0.44.dev20260713+nightly
codegen_flags: <defaults>
</compile_context>

<pallas_src>
import jax
import jax.numpy as jnp
from jax import lax
from jax.experimental import pallas as pl
from jax.experimental.pallas import tpu as pltpu
from jax.experimental.pallas import tpu_sc as plsc

B = 4096
V = 1000
HB = 1024
D = 16
NW = 16
IPW = B // NW
LANES = 16
BLK = 1024


def _sc_hist_body(idx_hbm, out_hbm, idx_v, hist_v):
    wid = lax.axis_index("s")
    zeros16 = jnp.zeros((LANES,), jnp.float32)
    for i in range(HB // LANES):
        hist_v[pl.ds(i * LANES, LANES)] = zeros16
    pltpu.sync_copy(idx_hbm.at[pl.ds(wid * IPW, IPW)], idx_v)
    ones16 = jnp.ones((LANES,), jnp.float32)
    for ch in range(IPW // LANES):
        v = idx_v[pl.ds(ch * LANES, LANES)]
        plsc.addupdate_scatter(hist_v, [v], ones16)
    pltpu.sync_copy(hist_v, out_hbm.at[wid])


def _sc_hist(idx):
    return pl.kernel(
        _sc_hist_body,
        mesh=plsc.VectorSubcoreMesh(core_axis_name="c", subcore_axis_name="s", num_cores=1),
        out_type=jax.ShapeDtypeStruct((NW, HB), jnp.float32),
        scratch_types=[
            pltpu.VMEM((IPW,), jnp.int32),
            pltpu.VMEM((HB,), jnp.float32),
        ],
        compiler_params=pltpu.CompilerParams(needs_layout_passes=False),
    )(idx)


def _loss_body(ut_ref, et_ref, ic_ref, part_ref, idx_ref, o_ref):
    ut = ut_ref[...]
    et = et_ref[...]
    ic = ic_ref[...]
    cnt = jnp.sum(part_ref[...], axis=0, keepdims=True)[:, :V]
    idxb = lax.transpose(idx_ref[0], (1, 0))
    sumic = jnp.sum(ic, axis=1, keepdims=True)
    w = jnp.where(cnt > 0.0, cnt * (sumic / ic), 0.0)
    wmax = jnp.max(w, axis=1, keepdims=True)
    wn_col = lax.transpose(w * (1.0 / wmax), (1, 0))
    s = lax.dot_general(ut, et, (((0,), (0,)), ((), ())),
                        preferred_element_type=jnp.float32)
    se = lax.dot_general(jnp.exp(s), wn_col, (((1,), (0,)), ((), ())),
                         preferred_element_type=jnp.float32)
    logq = jnp.log(ic) - jnp.log(sumic)
    col = lax.broadcasted_iota(jnp.int32, (BLK, V), 1)
    d = jnp.sum(jnp.where(col == idxb, s - logq, 0.0), axis=1, keepdims=True)
    res = jnp.log(wmax) + jnp.log(se) - d
    o_ref[...] = jnp.reshape(lax.transpose(res, (1, 0)), (1, 1, BLK))


def kernel(item_embeddings, user_vec, item_count, item_idx):
    part = _sc_hist(item_idx.reshape(B).astype(jnp.int32))
    loss = pl.pallas_call(
        _loss_body,
        grid=(B // BLK,),
        in_specs=[
            pl.BlockSpec((D, BLK), lambda i: (0, i)),
            pl.BlockSpec((D, V), lambda i: (0, 0)),
            pl.BlockSpec((1, V), lambda i: (0, 0)),
            pl.BlockSpec((NW, HB), lambda i: (0, 0)),
            pl.BlockSpec((1, 1, BLK), lambda i: (i, 0, 0)),
        ],
        out_specs=pl.BlockSpec((1, 1, BLK), lambda i: (i, 0, 0)),
        out_shape=jax.ShapeDtypeStruct((B // BLK, 1, BLK), jnp.float32),
        compiler_params=pltpu.CompilerParams(
            fuse_transposed_lhs_in_matmul=True),
    )(user_vec.T, item_embeddings.T, item_count.reshape(1, V), part,
      item_idx.astype(jnp.int32).reshape(B // BLK, 1, BLK))
    return loss.reshape(B, 1)

# --- scband reference (transcript-rebuilt; emitter-appended) ---
"""Pipeline reference for scband-sampled-softmax-layer-11544872092195 (READ-ONLY COPY).

The authoritative reference and input builder live on the scoring server;
editing this copy changes nothing except your own understanding.
"""

import jax, jax.numpy as jnp
import numpy as np


def setup_inputs(seed: int = 0) -> dict:
    key = jax.random.key(seed)
    k1, k2, k3 = jax.random.split(key, 3)
    item_embeddings = jax.random.normal(k1, (1000, 16), dtype=jnp.float32)
    user_vec = jax.random.normal(k2, (4096, 16), dtype=jnp.float32)
    item_idx = jax.random.randint(k3, (4096, 1), 0, 990)
    item_count = jnp.ones((1000,), dtype=jnp.float32)  # sampler_config['item_count'] = [1]*1000
    return {"item_embeddings": item_embeddings, "user_vec": user_vec, "item_count": item_count, "item_idx": item_idx}


def reference(item_embeddings, user_vec, item_count, item_idx):
    temperature = 1.0
    user_vec = user_vec / temperature
    idx = jnp.squeeze(item_idx, axis=1)
    # in-batch sampled softmax: gather positive item vectors, B x B logits
    item_vec = jnp.take(item_embeddings, idx, axis=0)
    logits = jnp.matmul(user_vec, item_vec.T)
    # log-Q correction from unigram item frequencies
    Q = jnp.take(item_count / jnp.sum(item_count), idx)
    logits = logits - jnp.log(Q).reshape(1, -1)
    # labels = diag(ones_like(logits[0])) -> identity
    labels = jnp.eye(logits.shape[0], dtype=logits.dtype)
    logp = jax.nn.log_softmax(logits, axis=-1)
    loss = -jnp.sum(labels * logp, axis=-1)
    return loss[:, None]

if __name__ == "__main__":
    import jax
    _d = setup_inputs()
    print(jax.jit(kernel)(*tuple(_d.values())))

</pallas_src>

<mosaic_0001>
#map = affine_map<(d0, d1) -> (0)>
#map1 = affine_map<(d0, d1) -> (0, 0)>
module attributes {stable_mosaic.version = 14 : i64} {
  func.func @_sc_hist_body(%arg0: i32, %arg1: i32, %arg2: memref<4096xi32, #tpu.memory_space<hbm>>, %arg3: memref<16x1024xf32, #tpu.memory_space<hbm>>, %arg4: memref<256xi32, #tpu.memory_space<vmem>>, %arg5: memref<1024xf32, #tpu.memory_space<vmem>>) attributes {dimension_semantics = [#tpu.dimension_semantics<core_parallel>, #tpu.dimension_semantics<subcore_parallel>], iteration_bounds = array<i64: 1, 16>, scalar_prefetch = 0 : i64, scratch_operands = 2 : i64, tpu.core_type = #tpu.core_type<sc_vector_subcore>, window_params = [{transform_indices = #map}, {transform_indices = #map1}]} {
    %broadcast_in_dim3A = arith.constant 0.000000e+00 : f32
    %broadcast_in_dim3A_0 = vector.broadcast %broadcast_in_dim3A : f32 to vector<16xf32>
    %swap3A = arith.constant 0 : index
    %swap3A_1 = tpu.vector_load %arg5[%swap3A] {strides = array<i32>} : memref<1024xf32, #tpu.memory_space<vmem>>, vector<16xf32>,
    tpu.vector_store %arg5[%swap3A], %broadcast_in_dim3A_0 {strides = array<i32>} : memref<1024xf32, #tpu.memory_space<vmem>>, vector<16xf32>,
    %swap3A_2 = arith.constant 16 : index
    %swap3A_3 = tpu.vector_load %arg5[%swap3A_2] {strides = array<i32>} : memref<1024xf32, #tpu.memory_space<vmem>>, vector<16xf32>,
    tpu.vector_store %arg5[%swap3A_2], %broadcast_in_dim3A_0 {strides = array<i32>} : memref<1024xf32, #tpu.memory_space<vmem>>, vector<16xf32>,
    %swap3A_4 = arith.constant 32 : index
    %swap3A_5 = tpu.vector_load %arg5[%swap3A_4] {strides = array<i32>} : memref<1024xf32, #tpu.memory_space<vmem>>, vector<16xf32>,
    tpu.vector_store %arg5[%swap3A_4], %broadcast_in_dim3A_0 {strides = array<i32>} : memref<1024xf32, #tpu.memory_space<vmem>>, vector<16xf32>,
    %swap3A_6 = arith.constant 48 : index
    %swap3A_7 = tpu.vector_load %arg5[%swap3A_6] {strides = array<i32>} : memref<1024xf32, #tpu.memory_space<vmem>>, vector<16xf32>,
    tpu.vector_store %arg5[%swap3A_6], %broadcast_in_dim3A_0 {strides = array<i32>} : memref<1024xf32, #tpu.memory_space<vmem>>, vector<16xf32>,
    %swap3A_8 = arith.constant 64 : index
    %swap3A_9 = tpu.vector_load %arg5[%swap3A_8] {strides = array<i32>} : memref<1024xf32, #tpu.memory_space<vmem>>, vector<16xf32>,
    tpu.vector_store %arg5[%swap3A_8], %broadcast_in_dim3A_0 {strides = array<i32>} : memref<1024xf32, #tpu.memory_space<vmem>>, vector<16xf32>,
    %swap3A_10 = arith.constant 80 : index
    %swap3A_11 = tpu.vector_load %arg5[%swap3A_10] {strides = array<i32>} : memref<1024xf32, #tpu.memory_space<vmem>>, vector<16xf32>,
    tpu.vector_store %arg5[%swap3A_10], %broadcast_in_dim3A_0 {strides = array<i32>} : memref<1024xf32, #tpu.memory_space<vmem>>, vector<16xf32>,
    %swap3A_12 = arith.constant 96 : index
    %swap3A_13 = tpu.vector_load %arg5[%swap3A_12] {strides = array<i32>} : memref<1024xf32, #tpu.memory_space<vmem>>, vector<16xf32>,
    tpu.vector_store %arg5[%swap3A_12], %broadcast_in_dim3A_0 {strides = array<i32>} : memref<1024xf32, #tpu.memory_space<vmem>>, vector<16xf32>,
    %swap3A_14 = arith.constant 112 : index
    %swap3A_15 = tpu.vector_load %arg5[%swap3A_14] {strides = array<i32>} : memref<1024xf32, #tpu.memory_space<vmem>>, vector<16xf32>,
    tpu.vector_store %arg5[%swap3A_14], %broadcast_in_dim3A_0 {strides = array<i32>} : memref<1024xf32, #tpu.memory_space<vmem>>, vector<16xf32>,
    %swap3A_16 = arith.constant 128 : index
    %swap3A_17 = tpu.vector_load %arg5[%swap3A_16] {strides = array<i32>} : memref<1024xf32, #tpu.memory_space<vmem>>, vector<16xf32>,
    tpu.vector_store %arg5[%swap3A_16], %broadcast_in_dim3A_0 {strides = array<i32>} : memref<1024xf32, #tpu.memory_space<vmem>>, vector<16xf32>,
    %swap3A_18 = arith.constant 144 : index
    %swap3A_19 = tpu.vector_load %arg5[%swap3A_18] {strides = array<i32>} : memref<1024xf32, #tpu.memory_space<vmem>>, vector<16xf32>,
    tpu.vector_store %arg5[%swap3A_18], %broadcast_in_dim3A_0 {strides = array<i32>} : memref<1024xf32, #tpu.memory_space<vmem>>, vector<16xf32>,
    %swap3A_20 = arith.constant 160 : index
    %swap3A_21 = tpu.vector_load %arg5[%swap3A_20] {strides = array<i32>} : memref<1024xf32, #tpu.memory_space<vmem>>, vector<16xf32>,
    tpu.vector_store %arg5[%swap3A_20], %broadcast_in_dim3A_0 {strides = array<i32>} : memref<1024xf32, #tpu.memory_space<vmem>>, vector<16xf32>,
    %swap3A_22 = arith.constant 176 : index
    %swap3A_23 = tpu.vector_load %arg5[%swap3A_22] {strides = array<i32>} : memref<1024xf32, #tpu.memory_space<vmem>>, vector<16xf32>,
    tpu.vector_store %arg5[%swap3A_22], %broadcast_in_dim3A_0 {strides = array<i32>} : memref<1024xf32, #tpu.memory_space<vmem>>, vector<16xf32>,
    %swap3A_24 = arith.constant 192 : index
    %swap3A_25 = tpu.vector_load %arg5[%swap3A_24] {strides = array<i32>} : memref<1024xf32, #tpu.memory_space<vmem>>, vector<16xf32>,
    tpu.vector_store %arg5[%swap3A_24], %broadcast_in_dim3A_0 {strides = array<i32>} : memref<1024xf32, #tpu.memory_space<vmem>>, vector<16xf32>,
    %swap3A_26 = arith.constant 208 : index
    %swap3A_27 = tpu.vector_load %arg5[%swap3A_26] {strides = array<i32>} : memref<1024xf32, #tpu.memory_space<vmem>>, vector<16xf32>,
    tpu.vector_store %arg5[%swap3A_26], %broadcast_in_dim3A_0 {strides = array<i32>} : memref<1024xf32, #tpu.memory_space<vmem>>, vector<16xf32>,
    %swap3A_28 = arith.constant 224 : index
    %swap3A_29 = tpu.vector_load %arg5[%swap3A_28] {strides = array<i32>} : memref<1024xf32, #tpu.memory_space<vmem>>, vector<16xf32>,
    tpu.vector_store %arg5[%swap3A_28], %broadcast_in_dim3A_0 {strides = array<i32>} : memref<1024xf32, #tpu.memory_space<vmem>>, vector<16xf32>,
    %swap3A_30 = arith.constant 240 : index
    %swap3A_31 = tpu.vector_load %arg5[%swap3A_30] {strides = array<i32>} : memref<1024xf32, #tpu.memory_space<vmem>>, vector<16xf32>,
    tpu.vector_store %arg5[%swap3A_30], %broadcast_in_dim3A_0 {strides = array<i32>} : memref<1024xf32, #tpu.memory_space<vmem>>, vector<16xf32>,
    %swap3A_32 = arith.constant 256 : index
    %swap3A_33 = tpu.vector_load %arg5[%swap3A_32] {strides = array<i32>} : memref<1024xf32, #tpu.memory_space<vmem>>, vector<16xf32>,
    tpu.vector_store %arg5[%swap3A_32], %broadcast_in_dim3A_0 {strides = array<i32>} : memref<1024xf32, #tpu.memory_space<vmem>>, vector<16xf32>,
    %swap3A_34 = arith.constant 272 : index
    %swap3A_35 = tpu.vector_load %arg5[%swap3A_34] {strides = array<i32>} : memref<1024xf32, #tpu.memory_space<vmem>>, vector<16xf32>,
    tpu.vector_store %arg5[%swap3A_34], %broadcast_in_dim3A_0 {strides = array<i32>} : memref<1024xf32, #tpu.memory_space<vmem>>, vector<16xf32>,
    %swap3A_36 = arith.constant 288 : index
    %swap3A_37 = tpu.vector_load %arg5[%swap3A_36] {strides = array<i32>} : memref<1024xf32, #tpu.memory_space<vmem>>, vector<16xf32>,
    tpu.vector_store %arg5[%swap3A_36], %broadcast_in_dim3A_0 {strides = array<i32>} : memref<1024xf32, #tpu.memory_space<vmem>>, vector<16xf32>,
    %swap3A_38 = arith.constant 304 : index
    %swap3A_39 = tpu.vector_load %arg5[%swap3A_38] {strides = array<i32>} : memref<1024xf32, #tpu.memory_space<vmem>>, vector<16xf32>,
    tpu.vector_store %arg5[%swap3A_38], %broadcast_in_dim3A_0 {strides = array<i32>} : memref<1024xf32, #tpu.memory_space<vmem>>, vector<16xf32>,
    %swap3A_40 = arith.constant 320 : index
    %swap3A_41 = tpu.vector_load %arg5[%swap3A_40] {strides = array<i32>} : memref<1024xf32, #tpu.memory_space<vmem>>, vector<16xf32>,
    tpu.vector_store %arg5[%swap3A_40], %broadcast_in_dim3A_0 {strides = array<i32>} : memref<1024xf32, #tpu.memory_space<vmem>>, vector<16xf32>,
    %swap3A_42 = arith.constant 336 : index
    %swap3A_43 = tpu.vector_load %arg5[%swap3A_42] {strides = array<i32>} : memref<1024xf32, #tpu.memory_space<vmem>>, vector<16xf32>,
    tpu.vector_store %arg5[%swap3A_42], %broadcast_in_dim3A_0 {strides = array<i32>} : memref<1024xf32, #tpu.memory_space<vmem>>, vector<16xf32>,
    %swap3A_44 = arith.constant 352 : index
    %swap3A_45 = tpu.vector_load %arg5[%swap3A_44] {strides = array<i32>} : memref<1024xf32, #tpu.memory_space<vmem>>, vector<16xf32>,
    tpu.vector_store %arg5[%swap3A_44], %broadcast_in_dim3A_0 {strides = array<i32>} : memref<1024xf32, #tpu.memory_space<vmem>>, vector<16xf32>,
    %swap3A_46 = arith.constant 368 : index
    %swap3A_47 = tpu.vector_load %arg5[%swap3A_46] {strides = array<i32>} : memref<1024xf32, #tpu.memory_space<vmem>>, vector<16xf32>,
    tpu.vector_store %arg5[%swap3A_46], %broadcast_in_dim3A_0 {strides = array<i32>} : memref<1024xf32, #tpu.memory_space<vmem>>, vector<16xf32>,
    %swap3A_48 = arith.constant 384 : index
    %swap3A_49 = tpu.vector_load %arg5[%swap3A_48] {strides = array<i32>} : memref<1024xf32, #tpu.memory_space<vmem>>, vector<16xf32>,
    tpu.vector_store %arg5[%swap3A_48], %broadcast_in_dim3A_0 {strides = array<i32>} : memref<1024xf32, #tpu.memory_space<vmem>>, vector<16xf32>,
    %swap3A_50 = arith.constant 400 : index
    %swap3A_51 = tpu.vector_load %arg5[%swap3A_50] {strides = array<i32>} : memref<1024xf32, #tpu.memory_space<vmem>>, vector<16xf32>,
    tpu.vector_store %arg5[%swap3A_50], %broadcast_in_dim3A_0 {strides = array<i32>} : memref<1024xf32, #tpu.memory_space<vmem>>, vector<16xf32>,
    %swap3A_52 = arith.constant 416 : index
    %swap3A_53 = tpu.vector_load %arg5[%swap3A_52] {strides = array<i32>} : memref<1024xf32, #tpu.memory_space<vmem>>, vector<16xf32>,
    tpu.vector_store %arg5[%swap3A_52], %broadcast_in_dim3A_0 {strides = array<i32>} : memref<1024xf32, #tpu.memory_space<vmem>>, vector<16xf32>,
    %swap3A_54 = arith.constant 432 : index
    %swap3A_55 = tpu.vector_load %arg5[%swap3A_54] {strides = array<i32>} : memref<1024xf32, #tpu.memory_space<vmem>>, vector<16xf32>,
    tpu.vector_store %arg5[%swap3A_54], %broadcast_in_dim3A_0 {strides = array<i32>} : memref<1024xf32, #tpu.memory_space<vmem>>, vector<16xf32>,
    %swap3A_56 = arith.constant 448 : index
    %swap3A_57 = tpu.vector_load %arg5[%swap3A_56] {strides = array<i32>} : memref<1024xf32, #tpu.memory_space<vmem>>, vector<16xf32>,
    tpu.vector_store %arg5[%swap3A_56], %broadcast_in_dim3A_0 {strides = array<i32>} : memref<1024xf32, #tpu.memory_space<vmem>>, vector<16xf32>,
    %swap3A_58 = arith.constant 464 : index
    %swap3A_59 = tpu.vector_load %arg5[%swap3A_58] {strides = array<i32>} : memref<1024xf32, #tpu.memory_space<vmem>>, vector<16xf32>,
    tpu.vector_store %arg5[%swap3A_58], %broadcast_in_dim3A_0 {strides = array<i32>} : memref<1024xf32, #tpu.memory_space<vmem>>, vector<16xf32>,
    %swap3A_60 = arith.constant 480 : index
    %swap3A_61 = tpu.vector_load %arg5[%swap3A_60] {strides = array<i32>} : memref<1024xf32, #tpu.memory_space<vmem>>, vector<16xf32>,
    tpu.vector_store %arg5[%swap3A_60], %broadcast_in_dim3A_0 {strides = array<i32>} : memref<1024xf32, #tpu.memory_space<vmem>>, vector<16xf32>,
    %swap3A_62 = arith.constant 496 : index
    %swap3A_63 = tpu.vector_load %arg5[%swap3A_62] {strides = array<i32>} : memref<1024xf32, #tpu.memory_space<vmem>>, vector<16xf32>,
    tpu.vector_store %arg5[%swap3A_62], %broadcast_in_dim3A_0 {strides = array<i32>} : memref<1024xf32, #tpu.memory_space<vmem>>, vector<16xf32>,
    %swap3A_64 = arith.constant 512 : index
    %swap3A_65 = tpu.vector_load %arg5[%swap3A_64] {strides = array<i32>} : memref<1024xf32, #tpu.memory_space<vmem>>, vector<16xf32>,
    tpu.vector_store %arg5[%swap3A_64], %broadcast_in_dim3A_0 {strides = array<i32>} : memref<1024xf32, #tpu.memory_space<vmem>>, vector<16xf32>,
    %swap3A_66 = arith.constant 528 : index
    %swap3A_67 = tpu.vector_load %arg5[%swap3A_66] {strides = array<i32>} : memref<1024xf32, #tpu.memory_space<vmem>>, vector<16xf32>,
    tpu.vector_store %arg5[%swap3A_66], %broadcast_in_dim3A_0 {strides = array<i32>} : memref<1024xf32, #tpu.memory_space<vmem>>, vector<16xf32>,
    %swap3A_68 = arith.constant 544 : index
    %swap3A_69 = tpu.vector_load %arg5[%swap3A_68] {strides = array<i32>} : memref<1024xf32, #tpu.memory_space<vmem>>, vector<16xf32>,
    tpu.vector_store %arg5[%swap3A_68], %broadcast_in_dim3A_0 {strides = array<i32>} : memref<1024xf32, #tpu.memory_space<vmem>>, vector<16xf32>,
    %swap3A_70 = arith.constant 560 : index
    %swap3A_71 = tpu.vector_load %arg5[%swap3A_70] {strides = array<i32>} : memref<1024xf32, #tpu.memory_space<vmem>>, vector<16xf32>,
    tpu.vector_store %arg5[%swap3A_70], %broadcast_in_dim3A_0 {strides = array<i32>} : memref<1024xf32, #tpu.memory_space<vmem>>, vector<16xf32>,
    %swap3A_72 = arith.constant 576 : index
    %swap3A_73 = tpu.vector_load %arg5[%swap3A_72] {strides = array<i32>} : memref<1024xf32, #tpu.memory_space<vmem>>, vector<16xf32>,
    tpu.vector_store %arg5[%swap3A_72], %broadcast_in_dim3A_0 {strides = array<i32>} : memref<1024xf32, #tpu.memory_space<vmem>>, vector<16xf32>,
    %swap3A_74 = arith.constant 592 : index
    %swap3A_75 = tpu.vector_load %arg5[%swap3A_74] {strides = array<i32>} : memref<1024xf32, #tpu.memory_space<vmem>>, vector<16xf32>,
    tpu.vector_store %arg5[%swap3A_74], %broadcast_in_dim3A_0 {strides = array<i32>} : memref<1024xf32, #tpu.memory_space<vmem>>, vector<16xf32>,
    %swap3A_76 = arith.constant 608 : index
    %swap3A_77 = tpu.vector_load %arg5[%swap3A_76] {strides = array<i32>} : memref<1024xf32, #tpu.memory_space<vmem>>, vector<16xf32>,
    tpu.vector_store %arg5[%swap3A_76], %broadcast_in_dim3A_0 {strides = array<i32>} : memref<1024xf32, #tpu.memory_space<vmem>>, vector<16xf32>,
    %swap3A_78 = arith.constant 624 : index
    %swap3A_79 = tpu.vector_load %arg5[%swap3A_78] {strides = array<i32>} : memref<1024xf32, #tpu.memory_space<vmem>>, vector<16xf32>,
    tpu.vector_store %arg5[%swap3A_78], %broadcast_in_dim3A_0 {strides = array<i32>} : memref<1024xf32, #tpu.memory_space<vmem>>, vector<16xf32>,
    %swap3A_80 = arith.constant 640 : index
    %swap3A_81 = tpu.vector_load %arg5[%swap3A_80] {strides = array<i32>} : memref<1024xf32, #tpu.memory_space<vmem>>, vector<16xf32>,
    tpu.vector_store %arg5[%swap3A_80], %broadcast_in_dim3A_0 {strides = array<i32>} : memref<1024xf32, #tpu.memory_space<vmem>>, vector<16xf32>,
    %swap3A_82 = arith.constant 656 : index
    %swap3A_83 = tpu.vector_load %arg5[%swap3A_82] {strides = array<i32>} : memref<1024xf32, #tpu.memory_space<vmem>>, vector<16xf32>,
    tpu.vector_store %arg5[%swap3A_82], %broadcast_in_dim3A_0 {strides = array<i32>} : memref<1024xf32, #tpu.memory_space<vmem>>, vector<16xf32>,
    %swap3A_84 = arith.constant 672 : index
    %swap3A_85 = tpu.vector_load %arg5[%swap3A_84] {strides = array<i32>} : memref<1024xf32, #tpu.memory_space<vmem>>, vector<16xf32>,
    tpu.vector_store %arg5[%swap3A_84], %broadcast_in_dim3A_0 {strides = array<i32>} : memref<1024xf32, #tpu.memory_space<vmem>>, vector<16xf32>,
    %swap3A_86 = arith.constant 688 : index
    %swap3A_87 = tpu.vector_load %arg5[%swap3A_86] {strides = array<i32>} : memref<1024xf32, #tpu.memory_space<vmem>>, vector<16xf32>,
    tpu.vector_store %arg5[%swap3A_86], %broadcast_in_dim3A_0 {strides = array<i32>} : memref<1024xf32, #tpu.memory_space<vmem>>, vector<16xf32>,
    %swap3A_88 = arith.constant 704 : index
    %swap3A_89 = tpu.vector_load %arg5[%swap3A_88] {strides = array<i32>} : memref<1024xf32, #tpu.memory_space<vmem>>, vector<16xf32>,
    tpu.vector_store %arg5[%swap3A_88], %broadcast_in_dim3A_0 {strides = array<i32>} : memref<1024xf32, #tpu.memory_space<vmem>>, vector<16xf32>,
    %swap3A_90 = arith.constant 720 : index
    %swap3A_91 = tpu.vector_load %arg5[%swap3A_90] {strides = array<i32>} : memref<1024xf32, #tpu.memory_space<vmem>>, vector<16xf32>,
    tpu.vector_store %arg5[%swap3A_90], %broadcast_in_dim3A_0 {strides = array<i32>} : memref<1024xf32, #tpu.memory_space<vmem>>, vector<16xf32>,
    %swap3A_92 = arith.constant 736 : index
    %swap3A_93 = tpu.vector_load %arg5[%swap3A_92] {strides = array<i32>} : memref<1024xf32, #tpu.memory_space<vmem>>, vector<16xf32>,
    tpu.vector_store %arg5[%swap3A_92], %broadcast_in_dim3A_0 {strides = array<i32>} : memref<1024xf32, #tpu.memory_space<vmem>>, vector<16xf32>,
    %swap3A_94 = arith.constant 752 : index
    %swap3A_95 = tpu.vector_load %arg5[%swap3A_94] {strides = array<i32>} : memref<1024xf32, #tpu.memory_space<vmem>>, vector<16xf32>,
    tpu.vector_store %arg5[%swap3A_94], %broadcast_in_dim3A_0 {strides = array<i32>} : memref<1024xf32, #tpu.memory_space<vmem>>, vector<16xf32>,
    %swap3A_96 = arith.constant 768 : index
    %swap3A_97 = tpu.vector_load %arg5[%swap3A_96] {strides = array<i32>} : memref<1024xf32, #tpu.memory_space<vmem>>, vector<16xf32>,
    tpu.vector_store %arg5[%swap3A_96], %broadcast_in_dim3A_0 {strides = array<i32>} : memref<1024xf32, #tpu.memory_space<vmem>>, vector<16xf32>,
    %swap3A_98 = arith.constant 784 : index
    %swap3A_99 = tpu.vector_load %arg5[%swap3A_98] {strides = array<i32>} : memref<1024xf32, #tpu.memory_space<vmem>>, vector<16xf32>,
    tpu.vector_store %arg5[%swap3A_98], %broadcast_in_dim3A_0 {strides = array<i32>} : memref<1024xf32, #tpu.memory_space<vmem>>, vector<16xf32>,
    %swap3A_100 = arith.constant 800 : index
    %swap3A_101 = tpu.vector_load %arg5[%swap3A_100] {strides = array<i32>} : memref<1024xf32, #tpu.memory_space<vmem>>, vector<16xf32>,
    tpu.vector_store %arg5[%swap3A_100], %broadcast_in_dim3A_0 {strides = array<i32>} : memref<1024xf32, #tpu.memory_space<vmem>>, vector<16xf32>,
    %swap3A_102 = arith.constant 816 : index
    %swap3A_103 = tpu.vector_load %arg5[%swap3A_102] {strides = array<i32>} : memref<1024xf32, #tpu.memory_space<vmem>>, vector<16xf32>,
    tpu.vector_store %arg5[%swap3A_102], %broadcast_in_dim3A_0 {strides = array<i32>} : memref<1024xf32, #tpu.memory_space<vmem>>, vector<16xf32>,
    %swap3A_104 = arith.constant 832 : index
    %swap3A_105 = tpu.vector_load %arg5[%swap3A_104] {strides = array<i32>} : memref<1024xf32, #tpu.memory_space<vmem>>, vector<16xf32>,
    tpu.vector_store %arg5[%swap3A_104], %broadcast_in_dim3A_0 {strides = array<i32>} : memref<1024xf32, #tpu.memory_space<vmem>>, vector<16xf32>,
    %swap3A_106 = arith.constant 848 : index
    %swap3A_107 = tpu.vector_load %arg5[%swap3A_106] {strides = array<i32>} : memref<1024xf32, #tpu.memory_space<vmem>>, vector<16xf32>,
    tpu.vector_store %arg5[%swap3A_106], %broadcast_in_dim3A_0 {strides = array<i32>} : memref<1024xf32, #tpu.memory_space<vmem>>, vector<16xf32>,
    %swap3A_108 = arith.constant 864 : index
    %swap3A_109 = tpu.vector_load %arg5[%swap3A_108] {strides = array<i32>} : memref<1024xf32, #tpu.memory_space<vmem>>, vector<16xf32>,
    tpu.vector_store %arg5[%swap3A_108], %broadcast_in_dim3A_0 {strides = array<i32>} : memref<1024xf32, #tpu.memory_space<vmem>>, vector<16xf32>,
    %swap3A_110 = arith.constant 880 : index
    %swap3A_111 = tpu.vector_load %arg5[%swap3A_110] {strides = array<i32>} : memref<1024xf32, #tpu.memory_space<vmem>>, vector<16xf32>,
    tpu.vector_store %arg5[%swap3A_110], %broadcast_in_dim3A_0 {strides = array<i32>} : memref<1024xf32, #tpu.memory_space<vmem>>, vector<16xf32>,
    %swap3A_112 = arith.constant 896 : index
    %swap3A_113 = tpu.vector_load %arg5[%swap3A_112] {strides = array<i32>} : memref<1024xf32, #tpu.memory_space<vmem>>, vector<16xf32>,
    tpu.vector_store %arg5[%swap3A_112], %broadcast_in_dim3A_0 {strides = array<i32>} : memref<1024xf32, #tpu.memory_space<vmem>>, vector<16xf32>,
    %swap3A_114 = arith.constant 912 : index
    %swap3A_115 = tpu.vector_load %arg5[%swap3A_114] {strides = array<i32>} : memref<1024xf32, #tpu.memory_space<vmem>>, vector<16xf32>,
    tpu.vector_store %arg5[%swap3A_114], %broadcast_in_dim3A_0 {strides = array<i32>} : memref<1024xf32, #tpu.memory_space<vmem>>, vector<16xf32>,
    %swap3A_116 = arith.constant 928 : index
    %swap3A_117 = tpu.vector_load %arg5[%swap3A_116] {strides = array<i32>} : memref<1024xf32, #tpu.memory_space<vmem>>, vector<16xf32>,
    tpu.vector_store %arg5[%swap3A_116], %broadcast_in_dim3A_0 {strides = array<i32>} : memref<1024xf32, #tpu.memory_space<vmem>>, vector<16xf32>,
    %swap3A_118 = arith.constant 944 : index
    %swap3A_119 = tpu.vector_load %arg5[%swap3A_118] {strides = array<i32>} : memref<1024xf32, #tpu.memory_space<vmem>>, vector<16xf32>,
    tpu.vector_store %arg5[%swap3A_118], %broadcast_in_dim3A_0 {strides = array<i32>} : memref<1024xf32, #tpu.memory_space<vmem>>, vector<16xf32>,
    %swap3A_120 = arith.constant 960 : index
    %swap3A_121 = tpu.vector_load %arg5[%swap3A_120] {strides = array<i32>} : memref<1024xf32, #tpu.memory_space<vmem>>, vector<16xf32>,
    tpu.vector_store %arg5[%swap3A_120], %broadcast_in_dim3A_0 {strides = array<i32>} : memref<1024xf32, #tpu.memory_space<vmem>>, vector<16xf32>,
    %swap3A_122 = arith.constant 976 : index
    %swap3A_123 = tpu.vector_load %arg5[%swap3A_122] {strides = array<i32>} : memref<1024xf32, #tpu.memory_space<vmem>>, vector<16xf32>,
    tpu.vector_store %arg5[%swap3A_122], %broadcast_in_dim3A_0 {strides = array<i32>} : memref<1024xf32, #tpu.memory_space<vmem>>, vector<16xf32>,
    %swap3A_124 = arith.constant 992 : index
    %swap3A_125 = tpu.vector_load %arg5[%swap3A_124] {strides = array<i32>} : memref<1024xf32, #tpu.memory_space<vmem>>, vector<16xf32>,
    tpu.vector_store %arg5[%swap3A_124], %broadcast_in_dim3A_0 {strides = array<i32>} : memref<1024xf32, #tpu.memory_space<vmem>>, vector<16xf32>,
    %swap3A_126 = arith.constant 1008 : index
    %swap3A_127 = tpu.vector_load %arg5[%swap3A_126] {strides = array<i32>} : memref<1024xf32, #tpu.memory_space<vmem>>, vector<16xf32>,
    tpu.vector_store %arg5[%swap3A_126], %broadcast_in_dim3A_0 {strides = array<i32>} : memref<1024xf32, #tpu.memory_space<vmem>>, vector<16xf32>,
    %mul3A = arith.constant 256 : i32
    %mul3A_128 = arith.muli %arg1, %mul3A : i32
    "tpu.region"() ({
      %run_scoped3A = tpu.sem_alloc : memref<!tpu.dma_semaphore, #tpu.memory_space<semaphore_mem>>
      %dma_start3A = tpu.memref_slice %arg2[%mul3A_128] : memref<4096xi32, #tpu.memory_space<hbm>> -> memref<256xi32, #tpu.memory_space<hbm>>
      %dma_start3A_162 = tpu.memref_slice %arg2[%mul3A_128] : memref<4096xi32, #tpu.memory_space<hbm>> -> memref<256xi32, #tpu.memory_space<hbm>>
      tpu.enqueue_dma source(%dma_start3A_162 : memref<256xi32, #tpu.memory_space<hbm>>) target(%arg4 : memref<256xi32, #tpu.memory_space<vmem>>) target_semaphore(%run_scoped3A : memref<!tpu.dma_semaphore, #tpu.memory_space<semaphore_mem>>)
      %dma_wait3A = tpu.memref_slice %arg2[%mul3A_128] : memref<4096xi32, #tpu.memory_space<hbm>> -> memref<256xi32, #tpu.memory_space<hbm>>
      %dma_wait3A_163 = tpu.memref_slice %arg2[%mul3A_128] : memref<4096xi32, #tpu.memory_space<hbm>> -> memref<256xi32, #tpu.memory_space<hbm>>
      tpu.wait_dma2 semaphore(%run_scoped3A : memref<!tpu.dma_semaphore, #tpu.memory_space<semaphore_mem>>) src(%dma_wait3A_163 : memref<256xi32, #tpu.memory_space<hbm>>) dst(%arg4 : memref<256xi32, #tpu.memory_space<vmem>>)
      tpu.yield
    }) : () -> ()
    %broadcast_in_dim3A_129 = arith.constant 1.000000e+00 : f32
    %broadcast_in_dim3A_130 = vector.broadcast %broadcast_in_dim3A_129 : f32 to vector<16xf32>
    %get3A = arith.constant 0 : index
    %get3A_131 = tpu.vector_load %arg4[%get3A] {strides = array<i32>} : memref<256xi32, #tpu.memory_space<vmem>>, vector<16xi32>,
    tpu.vector_store_idx %arg5[%get3A_131], %broadcast_in_dim3A_130 {add = true} : memref<1024xf32, #tpu.memory_space<vmem>>[vector<16xi32>], vector<16xf32>,
    %get3A_132 = arith.constant 16 : index
    %get3A_133 = tpu.vector_load %arg4[%get3A_132] {strides = array<i32>} : memref<256xi32, #tpu.memory_space<vmem>>, vector<16xi32>,
    tpu.vector_store_idx %arg5[%get3A_133], %broadcast_in_dim3A_130 {add = true} : memref<1024xf32, #tpu.memory_space<vmem>>[vector<16xi32>], vector<16xf32>,
    %get3A_134 = arith.constant 32 : index
    %get3A_135 = tpu.vector_load %arg4[%get3A_134] {strides = array<i32>} : memref<256xi32, #tpu.memory_space<vmem>>, vector<16xi32>,
    tpu.vector_store_idx %arg5[%get3A_135], %broadcast_in_dim3A_130 {add = true} : memref<1024xf32, #tpu.memory_space<vmem>>[vector<16xi32>], vector<16xf32>,
    %get3A_136 = arith.constant 48 : index
    %get3A_137 = tpu.vector_load %arg4[%get3A_136] {strides = array<i32>} : memref<256xi32, #tpu.memory_space<vmem>>, vector<16xi32>,
    tpu.vector_store_idx %arg5[%get3A_137], %broadcast_in_dim3A_130 {add = true} : memref<1024xf32, #tpu.memory_space<vmem>>[vector<16xi32>], vector<16xf32>,
    %get3A_138 = arith.constant 64 : index
    %get3A_139 = tpu.vector_load %arg4[%get3A_138] {strides = array<i32>} : memref<256xi32, #tpu.memory_space<vmem>>, vector<16xi32>,
    tpu.vector_store_idx %arg5[%get3A_139], %broadcast_in_dim3A_130 {add = true} : memref<1024xf32, #tpu.memory_space<vmem>>[vector<16xi32>], vector<16xf32>,
    %get3A_140 = arith.constant 80 : index
    %get3A_141 = tpu.vector_load %arg4[%get3A_140] {strides = array<i32>} : memref<256xi32, #tpu.memory_space<vmem>>, vector<16xi32>,
    tpu.vector_store_idx %arg5[%get3A_141], %broadcast_in_dim3A_130 {add = true} : memref<1024xf32, #tpu.memory_space<vmem>>[vector<16xi32>], vector<16xf32>,
    %get3A_142 = arith.constant 96 : index
    %get3A_143 = tpu.vector_load %arg4[%get3A_142] {strides = array<i32>} : memref<256xi32, #tpu.memory_space<vmem>>, vector<16xi32>,
    tpu.vector_store_idx %arg5[%get3A_143], %broadcast_in_dim3A_130 {add = true} : memref<1024xf32, #tpu.memory_space<vmem>>[vector<16xi32>], vector<16xf32>,
    %get3A_144 = arith.constant 112 : index
    %get3A_145 = tpu.vector_load %arg4[%get3A_144] {strides = array<i32>} : memref<256xi32, #tpu.memory_space<vmem>>, vector<16xi32>,
    tpu.vector_store_idx %arg5[%get3A_145], %broadcast_in_dim3A_130 {add = true} : memref<1024xf32, #tpu.memory_space<vmem>>[vector<16xi32>], vector<16xf32>,
    %get3A_146 = arith.constant 128 : index
    %get3A_147 = tpu.vector_load %arg4[%get3A_146] {strides = array<i32>} : memref<256xi32, #tpu.memory_space<vmem>>, vector<16xi32>,
    tpu.vector_store_idx %arg5[%get3A_147], %broadcast_in_dim3A_130 {add = true} : memref<1024xf32, #tpu.memory_space<vmem>>[vector<16xi32>], vector<16xf32>,
    %get3A_148 = arith.constant 144 : index
    %get3A_149 = tpu.vector_load %arg4[%get3A_148] {strides = array<i32>} : memref<256xi32, #tpu.memory_space<vmem>>, vector<16xi32>,
    tpu.vector_store_idx %arg5[%get3A_149], %broadcast_in_dim3A_130 {add = true} : memref<1024xf32, #tpu.memory_space<vmem>>[vector<16xi32>], vector<16xf32>,
    %get3A_150 = arith.constant 160 : index
    %get3A_151 = tpu.vector_load %arg4[%get3A_150] {strides = array<i32>} : memref<256xi32, #tpu.memory_space<vmem>>, vector<16xi32>,
    tpu.vector_store_idx %arg5[%get3A_151], %broadcast_in_dim3A_130 {add = true} : memref<1024xf32, #tpu.memory_space<vmem>>[vector<16xi32>], vector<16xf32>,
    %get3A_152 = arith.constant 176 : index
    %get3A_153 = tpu.vector_load %arg4[%get3A_152] {strides = array<i32>} : memref<256xi32, #tpu.memory_space<vmem>>, vector<16xi32>,
    tpu.vector_store_idx %arg5[%get3A_153], %broadcast_in_dim3A_130 {add = true} : memref<1024xf32, #tpu.memory_space<vmem>>[vector<16xi32>], vector<16xf32>,
    %get3A_154 = arith.constant 192 : index
    %get3A_155 = tpu.vector_load %arg4[%get3A_154] {strides = array<i32>} : memref<256xi32, #tpu.memory_space<vmem>>, vector<16xi32>,
    tpu.vector_store_idx %arg5[%get3A_155], %broadcast_in_dim3A_130 {add = true} : memref<1024xf32, #tpu.memory_space<vmem>>[vector<16xi32>], vector<16xf32>,
    %get3A_156 = arith.constant 208 : index
    %get3A_157 = tpu.vector_load %arg4[%get3A_156] {strides = array<i32>} : memref<256xi32, #tpu.memory_space<vmem>>, vector<16xi32>,
    tpu.vector_store_idx %arg5[%get3A_157], %broadcast_in_dim3A_130 {add = true} : memref<1024xf32, #tpu.memory_space<vmem>>[vector<16xi32>], vector<16xf32>,
    %get3A_158 = arith.constant 224 : index
    %get3A_159 = tpu.vector_load %arg4[%get3A_158] {strides = array<i32>} : memref<256xi32, #tpu.memory_space<vmem>>, vector<16xi32>,
    tpu.vector_store_idx %arg5[%get3A_159], %broadcast_in_dim3A_130 {add = true} : memref<1024xf32, #tpu.memory_space<vmem>>[vector<16xi32>], vector<16xf32>,
    %get3A_160 = arith.constant 240 : index
    %get3A_161 = tpu.vector_load %arg4[%get3A_160] {strides = array<i32>} : memref<256xi32, #tpu.memory_space<vmem>>, vector<16xi32>,
    tpu.vector_store_idx %arg5[%get3A_161], %broadcast_in_dim3A_130 {add = true} : memref<1024xf32, #tpu.memory_space<vmem>>[vector<16xi32>], vector<16xf32>,
    "tpu.region"() ({
      %run_scoped3A = tpu.sem_alloc : memref<!tpu.dma_semaphore, #tpu.memory_space<semaphore_mem>>
      %dma_start3A = arith.constant 0 : i32
      %dma_start3A_162 = tpu.memref_slice %arg3[%arg1, %dma_start3A] : memref<16x1024xf32, #tpu.memory_space<hbm>> -> memref<1x1024xf32, #tpu.memory_space<hbm>>
      %dma_start3A_163 = tpu.memref_squeeze %dma_start3A_162 : memref<1x1024xf32, #tpu.memory_space<hbm>> -> memref<1024xf32, #tpu.memory_space<hbm>>
      %dma_start3A_164 = arith.constant 0 : i32
      %dma_start3A_165 = tpu.memref_slice %arg3[%arg1, %dma_start3A_164] : memref<16x1024xf32, #tpu.memory_space<hbm>> -> memref<1x1024xf32, #tpu.memory_space<hbm>>
      %dma_start3A_166 = tpu.memref_squeeze %dma_start3A_165 : memref<1x1024xf32, #tpu.memory_space<hbm>> -> memref<1024xf32, #tpu.memory_space<hbm>>
      tpu.enqueue_dma source(%arg5 : memref<1024xf32, #tpu.memory_space<vmem>>) target(%dma_start3A_166 : memref<1024xf32, #tpu.memory_space<hbm>>) target_semaphore(%run_scoped3A : memref<!tpu.dma_semaphore, #tpu.memory_space<semaphore_mem>>)
      %dma_wait3A = arith.constant 0 : i32
      %dma_wait3A_167 = tpu.memref_slice %arg3[%arg1, %dma_wait3A] : memref<16x1024xf32, #tpu.memory_space<hbm>> -> memref<1x1024xf32, #tpu.memory_space<hbm>>
      %dma_wait3A_168 = tpu.memref_squeeze %dma_wait3A_167 : memref<1x1024xf32, #tpu.memory_space<hbm>> -> memref<1024xf32, #tpu.memory_space<hbm>>
      %dma_wait3A_169 = arith.constant 0 : i32
      %dma_wait3A_170 = tpu.memref_slice %arg3[%arg1, %dma_wait3A_169] : memref<16x1024xf32, #tpu.memory_space<hbm>> -> memref<1x1024xf32, #tpu.memory_space<hbm>>
      %dma_wait3A_171 = tpu.memref_squeeze %dma_wait3A_170 : memref<1x1024xf32, #tpu.memory_space<hbm>> -> memref<1024xf32, #tpu.memory_space<hbm>>
      tpu.wait_dma2 semaphore(%run_scoped3A : memref<!tpu.dma_semaphore, #tpu.memory_space<semaphore_mem>>) src(%arg5 : memref<1024xf32, #tpu.memory_space<vmem>>) dst(%dma_wait3A_171 : memref<1024xf32, #tpu.memory_space<hbm>>)
      tpu.yield
    }) : () -> ()
    return
  }
}

module attributes {stable_mosaic.version = 14 : i64} {
  func.func @_loss_body(%arg0: i32, %arg1: memref<16x1024xf32, #tpu.memory_space<vmem>>, %arg2: memref<16x1000xf32, #tpu.memory_space<vmem>>, %arg3: memref<1x1000xf32, #tpu.memory_space<vmem>>, %arg4: memref<16x1024xf32, #tpu.memory_space<vmem>>, %arg5: memref<1x1x1024xi32, #tpu.memory_space<vmem>>, %arg6: memref<1x1x1024xf32, #tpu.memory_space<vmem>>) attributes {dimension_semantics = [#tpu.dimension_semantics<arbitrary>], iteration_bounds = array<i64: 4>, scalar_prefetch = 0 : i64, scratch_operands = 0 : i64, tpu.core_type = #tpu.core_type<tc>, window_params = [{transform_indices = @transform_0, window_bounds = array<i64: 16, 1024>}, {pipeline_mode = #tpu.pipeline_mode<synchronous>, transform_indices = @transform_1, window_bounds = array<i64: 16, 1000>}, {pipeline_mode = #tpu.pipeline_mode<synchronous>, transform_indices = @transform_2, window_bounds = array<i64: 1, 1000>}, {pipeline_mode = #tpu.pipeline_mode<synchronous>, transform_indices = @transform_3, window_bounds = array<i64: 16, 1024>}, {transform_indices = @transform_4, window_bounds = array<i64: 1, 1, 1024>}, {transform_indices = @transform_5, window_bounds = array<i64: 1, 1, 1024>}]} {
    %get3A = arith.constant 0 : index
    %get3A_0 = arith.constant 0 : index
    %get3A_1 = vector.load %arg1[%get3A, %get3A_0] : memref<16x1024xf32, #tpu.memory_space<vmem>>, vector<16x1024xf32>
    %get3A_2 = arith.constant 0 : index
    %get3A_3 = arith.constant 0 : index
    %get3A_4 = vector.load %arg2[%get3A_2, %get3A_3] : memref<16x1000xf32, #tpu.memory_space<vmem>>, vector<16x1000xf32>
    %get3A_5 = arith.constant 0 : index
    %get3A_6 = arith.constant 0 : index
    %get3A_7 = vector.load %arg3[%get3A_5, %get3A_6] : memref<1x1000xf32, #tpu.memory_space<vmem>>, vector<1x1000xf32>
    %get3A_8 = arith.constant 0 : index
    %get3A_9 = arith.constant 0 : index
    %get3A_10 = vector.load %arg4[%get3A_8, %get3A_9] : memref<16x1024xf32, #tpu.memory_space<vmem>>, vector<16x1024xf32>
    %reduce_sum3A = arith.constant dense<0.000000e+00> : vector<1024xf32>
    %reduce_sum3A_11 = vector.multi_reduction <add>, %get3A_10, %reduce_sum3A [0] : vector<16x1024xf32> to vector<1024xf32>
    %broadcast_in_dim3A = vector.shape_cast %reduce_sum3A_11 : vector<1024xf32> to vector<1x1024xf32>
    %slice3A = vector.extract_strided_slice %broadcast_in_dim3A {offsets = [0, 0], sizes = [1, 1000], strides = [1, 1]} : vector<1x1024xf32> to vector<1x1000xf32>
    %get3A_12 = arith.constant 0 : index
    %get3A_13 = arith.constant 0 : index
    %get3A_14 = arith.constant 0 : index
    %get3A_15 = vector.load %arg5[%get3A_12, %get3A_13, %get3A_14] : memref<1x1x1024xi32, #tpu.memory_space<vmem>>, vector<1x1x1024xi32>
    %get3A_16 = vector.shape_cast %get3A_15 : vector<1x1x1024xi32> to vector<1x1024xi32>
    %transpose3A = tpu.transpose %get3A_16, [1, 0] : vector<1x1024xi32> -> vector<1024x1xi32>
    %reduce_sum3A_17 = arith.constant dense<0.000000e+00> : vector<1xf32>
    %reduce_sum3A_18 = vector.multi_reduction <add>, %get3A_7, %reduce_sum3A_17 [1] : vector<1x1000xf32> to vector<1xf32>
    %broadcast_in_dim3A_19 = vector.shape_cast %reduce_sum3A_18 : vector<1xf32> to vector<1x1xf32>
    %gt3A = arith.constant 0.000000e+00 : f32
    %gt3A_20 = vector.broadcast %gt3A : f32 to vector<1x1000xf32>
    %gt3A_21 = arith.cmpf ogt, %slice3A, %gt3A_20 : vector<1x1000xf32>
    %div3A = vector.broadcast %broadcast_in_dim3A_19 : vector<1x1xf32> to vector<1x1000xf32>
    %div3A_22 = arith.divf %div3A, %get3A_7 : vector<1x1000xf32>
    %mul3A = arith.mulf %slice3A, %div3A_22 : vector<1x1000xf32>
    %jit3A = arith.constant 0.000000e+00 : f32
    %broadcast_in_dim3A_23 = vector.broadcast %jit3A : f32 to vector<1x1000xf32>
    %select_n3A = arith.select %gt3A_21, %mul3A, %broadcast_in_dim3A_23 : vector<1x1000xi1>, vector<1x1000xf32>
    %reduce_max3A = arith.constant dense<0xFF800000> : vector<1xf32>
    %reduce_max3A_24 = vector.multi_reduction <maximumf>, %select_n3A, %reduce_max3A [1] : vector<1x1000xf32> to vector<1xf32>
    %broadcast_in_dim3A_25 = vector.shape_cast %reduce_max3A_24 : vector<1xf32> to vector<1x1xf32>
    %div3A_26 = arith.constant 1.000000e+00 : f32
    %div3A_27 = vector.broadcast %div3A_26 : f32 to vector<1x1xf32>
    %div3A_28 = arith.divf %div3A_27, %broadcast_in_dim3A_25 : vector<1x1xf32>
    %mul3A_29 = vector.broadcast %div3A_28 : vector<1x1xf32> to vector<1x1000xf32>
    %mul3A_30 = arith.mulf %select_n3A, %mul3A_29 : vector<1x1000xf32>
    %transpose3A_31 = tpu.transpose %mul3A_30, [1, 0] : vector<1x1000xf32> -> vector<1000x1xf32>
    %dot_general3A = arith.constant dense<0.000000e+00> : vector<1024x1000xf32>
    %dot_general3A_32 = tpu.matmul %get3A_1, %get3A_4, %dot_general3A {dimension_numbers = #tpu.dot_dimension_numbers<[0], [0], [1], [1], [0, 1, 1, 1], [], []>, transpose_lhs_hint = true} : vector<16x1024xf32>, vector<16x1000xf32>, vector<1024x1000xf32> -> vector<1024x1000xf32>
    %exp3A = math.exp %dot_general3A_32 : vector<1024x1000xf32>
    %dot_general3A_33 = arith.constant dense<0.000000e+00> : vector<1024x1xf32>
    %dot_general3A_34 = tpu.matmul %exp3A, %transpose3A_31, %dot_general3A_33 {dimension_numbers = #tpu.dot_dimension_numbers<[1], [0], [0], [1], [0, 0, 1, 1], [], []>, transpose_lhs_hint = false} : vector<1024x1000xf32>, vector<1000x1xf32>, vector<1024x1xf32> -> vector<1024x1xf32>
    %log3A = math.log %get3A_7 : vector<1x1000xf32>
    %log3A_35 = math.log %broadcast_in_dim3A_19 : vector<1x1xf32>
    %sub3A = vector.broadcast %log3A_35 : vector<1x1xf32> to vector<1x1000xf32>
    %sub3A_36 = arith.subf %log3A, %sub3A : vector<1x1000xf32>
    %iota3A = tpu.iota {dimensions = array<i32: 1>} : vector<1024x1000xi32>
    %eq3A = vector.broadcast %transpose3A : vector<1024x1xi32> to vector<1024x1000xi32>
    %eq3A_37 = arith.cmpi eq, %iota3A, %eq3A : vector<1024x1000xi32>
    %sub3A_38 = vector.broadcast %sub3A_36 : vector<1x1000xf32> to vector<1024x1000xf32>
    %sub3A_39 = arith.subf %dot_general3A_32, %sub3A_38 : vector<1024x1000xf32>
    %jit3A_40 = arith.constant 0.000000e+00 : f32
    %broadcast_in_dim3A_41 = vector.broadcast %jit3A_40 : f32 to vector<1024x1000xf32>
    %select_n3A_42 = arith.select %eq3A_37, %sub3A_39, %broadcast_in_dim3A_41 : vector<1024x1000xi1>, vector<1024x1000xf32>
    %reduce_sum3A_43 = arith.constant dense<0.000000e+00> : vector<1024xf32>
    %reduce_sum3A_44 = vector.multi_reduction <add>, %select_n3A_42, %reduce_sum3A_43 [1] : vector<1024x1000xf32> to vector<1024xf32>
    %broadcast_in_dim3A_45 = vector.shape_cast %reduce_sum3A_44 : vector<1024xf32> to vector<1024x1xf32>
    %log3A_46 = math.log %broadcast_in_dim3A_25 : vector<1x1xf32>
    %log3A_47 = math.log %dot_general3A_34 : vector<1024x1xf32>
    %add3A = vector.broadcast %log3A_46 : vector<1x1xf32> to vector<1024x1xf32>
    %add3A_48 = arith.addf %add3A, %log3A_47 : vector<1024x1xf32>
    %sub3A_49 = arith.subf %add3A_48, %broadcast_in_dim3A_45 : vector<1024x1xf32>
    %transpose3A_50 = tpu.transpose %sub3A_49, [1, 0] : vector<1024x1xf32> -> vector<1x1024xf32>
    %reshape3A = vector.shape_cast %transpose3A_50 : vector<1x1024xf32> to vector<1x1x1024xf32>
    %swap3A = arith.constant 0 : index
    %swap3A_51 = arith.constant 0 : index
    %swap3A_52 = arith.constant 0 : index
    %swap3A_53 = vector.load %arg6[%swap3A, %swap3A_51, %swap3A_52] : memref<1x1x1024xf32, #tpu.memory_space<vmem>>, vector<1x1x1024xf32>
    tpu.vector_store %arg6[%swap3A, %swap3A_51, %swap3A_52], %reshape3A {strides = array<i32>} : memref<1x1x1024xf32, #tpu.memory_space<vmem>>, vector<1x1x1024xf32>,
    return
  }
  func.func @transform_0(%arg0: i32) -> (i32, i32) {
    %c0_i32 = arith.constant 0 : i32
    %c0_i32_0 = arith.constant 0 : i32
    return %c0_i32, %arg0 : i32, i32
  }
  func.func @transform_1(%arg0: i32) -> (i32, i32) {
    %c0_i32 = arith.constant 0 : i32
    %c0_i32_0 = arith.constant 0 : i32
    %c0_i32_1 = arith.constant 0 : i32
    return %c0_i32, %c0_i32_0 : i32, i32
  }
  func.func @transform_2(%arg0: i32) -> (i32, i32) {
    %c0_i32 = arith.constant 0 : i32
    %c0_i32_0 = arith.constant 0 : i32
    %c0_i32_1 = arith.constant 0 : i32
    return %c0_i32, %c0_i32_0 : i32, i32
  }
  func.func @transform_3(%arg0: i32) -> (i32, i32) {
    %c0_i32 = arith.constant 0 : i32
    %c0_i32_0 = arith.constant 0 : i32
    %c0_i32_1 = arith.constant 0 : i32
    return %c0_i32, %c0_i32_0 : i32, i32
  }
  func.func @transform_4(%arg0: i32) -> (i32, i32, i32) {
    %c0_i32 = arith.constant 0 : i32
    %c0_i32_0 = arith.constant 0 : i32
    %c0_i32_1 = arith.constant 0 : i32
    return %arg0, %c0_i32, %c0_i32_0 : i32, i32, i32
  }
  func.func @transform_5(%arg0: i32) -> (i32, i32, i32) {
    %c0_i32 = arith.constant 0 : i32
    %c0_i32_0 = arith.constant 0 : i32
    %c0_i32_1 = arith.constant 0 : i32
    return %arg0, %c0_i32, %c0_i32_0 : i32, i32, i32
  }
}

</mosaic_0001>

<sc_bundles>
// kernel: kernel.4.cloned.1.call-start
scs
__scs_entry_jumppad:
0x0: {  	(pc) =	sbr.rel $0x88, $3  }
0x1: {  	(tag) =	ssettag $0x0;
	lr =	simm.s32 $0x1  }
0x2: {  	[smem:$0x3F9D] =	sst lr;
	_ =	strace $0xD0000000  }
0x3: {  	_ = 	snop  }
0x4: {  	_ = 	snop  }
0x5: {  	_ = 	snop  }
0x6: {  	_ = 	snop  }
0x7: {  	_ = 	snop  }
__scs_overlays_trampoline_lowered:
0x8: {  	[smem:$0x3FAC] =	sst s0  }
0x9: {  	[smem:$0x3FAD] =	sst s1  }
0xa: {  	[smem:$0x3FAE] =	sst s2  }
0xb: {  	[smem:$0x3FAF] =	sst s3  }
0xc: {  	[smem:$0x3FB0] =	sst s4  }
0xd: {  	[smem:$0x3FB1] =	sst s5  }
0xe: {  	[smem:$0x3FB2] =	sst s6  }
0xf: {  	[smem:$0x3FB3] =	sst s7  }
0x10: {  	[smem:$0x3FB4] =	sst s8  }
0x11: {  	[smem:$0x3FB5] =	sst s9;
	s0 =	simm.s32 @!p0 $0x0  }
0x12: {  	s1 =	sld [smem:$0x3F9B];
	s0 =	simm.s32 @p0 $0x1  }
0x13: {  	[smem:$0x3FB6] =	sst s0;
	s0 =	simm.s32 @!p1 $0x0  }
0x14: {  	s2 =	sld [smem:$0x3F9A];
	s0 =	simm.s32 @p1 $0x1  }
0x15: {  	[smem:$0x3FB7] =	sst s0;
	s0 =	simm.s32 @!p2 $0x0  }
0x16: {  	s3 =	sld [smem:$0x3FDB];
	s0 =	simm.s32 @p2 $0x1  }
0x17: {  	s4 =	simm.s32 $0x1BF5;
	[smem:$0x3FB9] =	sst s0  }
0x18: {  	s0 =	sld [smem:$0x3F9C];
	_ =	swait.ge [sflag:s4], $0x0  }
0x19: {  	s7 =	sld [smem:$0x3F9D]  }
0x1a: {  	s8 =	sadd.s32 $0xFFFFE003, lr  }
0x1b: {  	s9 =	sadd.s32 $0xFFFFFEF7, lr;
	s5 =	simm.s32 $0xFFFFFFFF;
	p2 =	slt.u32 s8, $0xFFFFF086  }
0x1c: {  	p1 =	slt.u32 s9, $0xF7A;
	s5 =	simm.s32 @!p2 $0x0  }
0x1d: {  	s5 =	simm.s32 @p1 $0x1;
	p0 =	seq.s32 s7, s2  }
0x1e: {  	s7 =	smul.u32 @!p0 $0xF7A, s2;
	p2 =	seq.s32 @!p0 s5, $0x0  }
0x1f: {  	s9 =	smul.u32 $0xF7A, s1;
	s8 =	simm.s32 @!p0 $0x1BF5;
	p2 =	por !p2, p0  }
0x20: {  	[sflag:s8] =	ssyncset.s32 @!p0 $0xFFFFF086;
	s6 =	sadd.s32 @!p0 s3, s7;
	s7 =	simm.s32 @!p0 $0x108  }
0x21: {  	s3 =	sadd.s32 s3, s9;
	s6 =	sadd.s32 @!p0 $0x88, s6;
	s7 =	simm.s32 @p2 $0x1082  }
0x22: {  	[simem:s7], [sflag:s8] =	dma.local @!p0 [hbm:s6], $0xF7A  }
0x23: {  	s9 =	sor.u32 $0xD0000000, s2;
	s6 =	simm.s32 $0x108;
	_ =	swait.ge @!p0 [sflag:s8], $0x0  }
0x24: {  	s3 =	sadd.s32 $0x88, s3;
	s6 =	simm.s32 @!p1 $0x1082;
	[sflag:s4] =	ssyncset.s32 $0xFFFFF086  }
0x25: {  	[simem:s6], [sflag:s4] =	dma.local [hbm:s3], $0xF7A  }
0x26: {  	[smem:$0x3F9D] =	sst s1;
	(tag) =	ssettag s2;
	_ =	strace s9  }
0x27: {  	s1 =	sld [smem:$0x3FAD]  }
0x28: {  	s2 =	sld [smem:$0x3FAE]  }
0x29: {  	s4 =	sld [smem:$0x3FB0]  }
0x2a: {  	p0 =	seq.s32 s5, $0x0;
	s5 =	sld [smem:$0x3FB1]  }
0x2b: {  	s6 =	sld [smem:$0x3FB2]  }
0x2c: {  	s7 =	sld [smem:$0x3FB3]  }
0x2d: {  	s3 =	simm.s32 $0x108;
	s8 =	sld [smem:$0x3FB4]  }
0x2e: {  	s3 =	simm.s32 @!p0 $0x1082;
	s9 =	sld [smem:$0x3FB5]  }
0x2f: {  	lr =	sadd.s32 s0, s3;
	s0 =	sld [smem:$0x3FAC]  }
0x30: {  	s3 =	sld [smem:$0x3FAF]  }
0x31: {  	[smem:$0x3FB8] =	sst s10  }
0x32: {  	s10 =	sld [smem:$0x3FB6];
	_ =	sdelay $0x3  }
0x33: {  	p0 =	seq.s32 s10, $0x1;
	s10 =	sld [smem:$0x3FB8];
	_ =	sdelay $0x3  }
0x34: {  	[smem:$0x3FB8] =	sst s10  }
0x35: {  	s10 =	sld [smem:$0x3FB7];
	_ =	sdelay $0x3  }
0x36: {  	p1 =	seq.s32 s10, $0x1;
	s10 =	sld [smem:$0x3FB8];
	_ =	sdelay $0x3  }
0x37: {  	[smem:$0x3FB8] =	sst s10  }
0x38: {  	s10 =	sld [smem:$0x3FB9]  }
0x39: {  	_ = 	snop;
	(pc) =	sbr.ind lr, $3  }
0x3a: {  	_ = 	snop  }
0x3b: {  	_ = 	snop  }
0x3c: {  	p2 =	seq.s32 s10, $0x1;
	s10 =	sld [smem:$0x3FB8]  }
0x3d: {  	_ =	shalt  }
0x3e: {  	_ =	shalt  }
0x3f: {  	_ =	shalt  }
0x40: {  	_ =	shalt  }
0x41: {  	_ =	shalt  }
0x42: {  	_ =	shalt  }
0x43: {  	_ =	shalt  }
0x44: {  	_ =	shalt  }
0x45: {  	_ =	shalt  }
0x46: {  	_ =	shalt  }
0x47: {  	_ =	shalt  }
0x48: {  	_ =	shalt  }
0x49: {  	_ =	shalt  }
0x4a: {  	_ =	shalt  }
0x4b: {  	_ =	shalt  }
0x4c: {  	_ =	shalt  }
0x4d: {  	_ =	shalt  }
0x4e: {  	_ =	shalt  }
0x4f: {  	_ =	shalt  }
0x50: {  	_ =	shalt  }
0x51: {  	_ =	shalt  }
0x52: {  	_ =	shalt  }
0x53: {  	_ =	shalt  }
0x54: {  	_ =	shalt  }
0x55: {  	_ =	shalt  }
0x56: {  	_ =	shalt  }
0x57: {  	_ =	shalt  }
0x58: {  	_ =	shalt  }
0x59: {  	_ =	shalt  }
0x5a: {  	_ =	shalt  }
0x5b: {  	_ =	shalt  }
0x5c: {  	_ =	shalt  }
0x5d: {  	_ =	shalt  }
0x5e: {  	_ =	shalt  }
0x5f: {  	_ =	shalt  }
0x60: {  	_ =	shalt  }
0x61: {  	_ =	shalt  }
0x62: {  	_ =	shalt  }
0x63: {  	_ =	shalt  }
0x64: {  	_ =	shalt  }
0x65: {  	_ =	shalt  }
0x66: {  	_ =	shalt  }
0x67: {  	_ =	shalt  }
0x68: {  	_ =	shalt  }
0x69: {  	_ =	shalt  }
0x6a: {  	_ =	shalt  }
0x6b: {  	_ =	shalt  }
0x6c: {  	_ =	shalt  }
0x6d: {  	_ =	shalt  }
0x6e: {  	_ =	shalt  }
0x6f: {  	_ =	shalt  }
0x70: {  	_ =	shalt  }
0x71: {  	_ =	shalt  }
0x72: {  	_ =	shalt  }
0x73: {  	_ =	shalt  }
0x74: {  	_ =	shalt  }
0x75: {  	_ =	shalt  }
0x76: {  	_ =	shalt  }
0x77: {  	_ =	shalt  }
0x78: {  	_ =	shalt  }
0x79: {  	_ =	shalt  }
0x7a: {  	_ =	shalt  }
0x7b: {  	_ =	shalt  }
0x7c: {  	_ =	shalt  }
0x7d: {  	_ =	shalt  }
0x7e: {  	_ =	shalt  }
0x7f: {  	_ =	shalt  }
0x80: {  	_ =	shalt  }
0x81: {  	_ =	shalt  }
0x82: {  	_ =	shalt  }
0x83: {  	_ =	shalt  }
0x84: {  	_ =	shalt  }
0x85: {  	_ =	shalt  }
0x86: {  	_ =	shalt  }
0x87: {  	_ =	shalt  }
.Lfunc_end0:
.L_simem_size_0:
called_computation_lowered:
.L_overlay_start_0:
0x88: {  	s0 =	sld [smem:$0x3FD9]  }
0x89: {  	s1 =	sld [smem:$0x3FFE];
	_ =	sdelay $0x3  }
0x8a: {  	s0 =	sadd.s32 s1, s0  }
0x8b: {  	[smem:$0x3FC4] =	sst s0  }
0x8c: {  	_ = 	snop  }
0x8d: {  	s0 =	sld [smem:$0x3FC6];
	(tm) =	ssettm $0x1  }
0x8e: {  	s16 =	sld [smem:$0x3FFB];
	_ =	sdelay $0x3  }
0x8f: {  	_ =	strace s16  }
0x90: {  	s1 =	sld [smem:$0x3FFC];
	_ =	sdelay $0x3  }
0x91: {  	_ =	strace s1  }
0x92: {  	s1 =	sld [smem:$0x3FFD];
	_ =	sdelay $0x3  }
0x93: {  	_ =	strace s1  }
0x94: {  	_ =	strace $0x8FFFFFFF  }
0x95: {  	s17 =	sld [smem:$0x3FDB];
	_ =	sdelay $0x1  }
0x96: {  	s2 =	simm.s32 $_scs_section_size  }
0x97: {  	s3 =	simm.s32 $_size__tile_overlayer_lowered;
	s4 =	simm.s32 $_tile_overlayer_lowered  }
0x98: {  	s20 =	simm.s32 $0x1BFF;
	s19 =	sshll.u32 s4, $0x1;
	s1 =	sadd.s32 s2, s17  }
0x99: {  	s5 =	simm.s32 $0x0;
	s18 =	sshll.u32 s3, $0x1;
	s3 =	sadd.s32 s19, s1  }
0x9a: {  	[timem:s5], [sflag:s20] =	dma.local [hbm:s3], s18  }
0x9b: {  	_ =	swait.ge [sflag:s20], s18  }
0x9c: {  	s2 =	ssub.s32 $0x0, s18;
	[sflag:s20] =	ssyncset.done $0x0  }
0x9d: {  	[sflag:s20] =	ssyncadd.s32 s2;
	_ =	sdelay $0x1  }
0x9e: {  	s21 =	simm.s32 $0x1B8B  }
0x9f: {  	_ =	swait.ge [sflag:s21], $0x1  }
0xa0: {  	[sflag:s21] =	ssyncset.done $0x0  }
0xa1: {  	s23 =	simm.s32 $0x1B8E;
	s22 =	sld [smem:$0x3FFE];
	[sflag:s21] =	ssyncadd.s32 $0xFFFFFFFF  }
0xa2: {  	s24 =	simm.s32 $execute0_lowered;
	[smem:$0x3FD2] =	sst s23  }
0xa3: {  	s3 =	sshll.u32 s24, $0x1;
	_ =	strace $0x80000046;
	[dreg:$0x1] =	wrdreg $0xFFFFFFFF  }
0xa4: {  	s25 =	simm.s32 $_size_execute0_lowered;
	s1 =	sadd.s32 s1, s3;
	[dreg:$0x0] =	wrdreg $0x0  }
0xa5: {  	s3 =	sshll.u32 s25, $0x1;
	[dreg:$0x2] =	wrdreg s1  }
0xa6: {  	[dreg:$0x3] =	wrdreg s3  }
0xa7: {  	[dreg:$0x4] =	wrdreg $0xC0  }
0xa8: {  	_ =	task [dreg:s5], $0x5FFFF  }
0xa9: {  	[dreg:$0x1] =	wrdreg $0xFFFFFFFF  }
0xaa: {  	[dreg:$0x0] =	wrdreg $0x60  }
0xab: {  	[dreg:$0x2] =	wrdreg s0  }
0xac: {  	[dreg:$0x3] =	wrdreg s22  }
0xad: {  	[dreg:$0x4] =	wrdreg $0x9  }
0xae: {  	_ =	task.clear_ibuf [dreg:s5], $0x5FFFF;
	_ =	strace $0x90000046  }
0xaf: {  	s26 =	simm.s32 $0x9;
	_ =	strace $0x80000048  }
0xb0: {  	_ =	swait.ge [sflag:s26], $0x1  }
0xb1: {  	[sflag:s26] =	ssyncadd.s32 $0xFFFFFFFF  }
0xb2: {  	_ =	strace $0x90000048  }
0xb3: {  	_ =	sfence  }
0xb4: {  	s28 =	sld [smem:$0x0];
	_ =	sdelay $0x1  }
0xb5: {  	s29 =	srdreg.scid  }
0xb6: {  	s30 =	sshll.u32 s29, $0xD;
	s31 =	sshrl.u32 s29, $0x2  }
0xb7: {  	s2 =	sand.u32 $0x4000, s30;
	s1 =	sand.u32 $0x1, s29;
	s0 =	sadd.s32 s31, s28  }
0xb8: {  	s1 =	sor.u32 s2, s1;
	s0 =	sshll.u32 s0, $0x11  }
0xb9: {  	s0 =	sor.u32 s0, s1  }
0xba: {  	s0 =	sadd.s32 $0x8F2B, s0  }
0xbb: {  	[sflag:s0] =	ssyncadd.remote.s32 $0x1  }
0xbc: {  	_ =	sfence.sel $0xFFFF  }
0xbd: {  	[dreg:$0x0] =	wrdreg $0xFFFFFFFF;
	(pc) =	sbr.abs _section_cstart, $3  }
0xbe: {  	[dreg:$0x1] =	wrdreg $0xFFFFFFFF  }
0xbf: {  	_ =	task.clear_ibuf [dreg:s5], $0x2FFFF;
	_ =	strace $0x9FFFFFFF  }
0xc0: {  	(tm) =	ssettm $0x7FFFFFFF  }
0xc1: {  	_ =	shalt  }
tec
execute0_lowered:
.L_overlay_start_1:
0x0: {  	(tag) =	ssettag $0x1  }
0x1: {  	s2 =	rddreg [dreg:$0x0]  }
0x2: {  	s1 =	rddreg [dreg:$0x1];
	s3 =	simm.s32 $0x0  }
0x3: {  	v0 =	vimm.f32 $0.0e+00;
	[smem:$0x7FF] =	sst s3  }
0x4: {  	s0 =	rddreg [dreg:$0x2];
	_ =	strace $0x80000047;
	[tilespmem:$0x100] =	vst v0  }
0x5: {  	[tilespmem:$0x110] =	vst v0  }
0x6: {  	[tilespmem:$0x120] =	vst v0  }
0x7: {  	[tilespmem:$0x130] =	vst v0  }
0x8: {  	[tilespmem:$0x140] =	vst v0  }
0x9: {  	[tilespmem:$0x150] =	vst v0  }
0xa: {  	[tilespmem:$0x160] =	vst v0  }
0xb: {  	[tilespmem:$0x170] =	vst v0  }
0xc: {  	[tilespmem:$0x180] =	vst v0  }
0xd: {  	[tilespmem:$0x190] =	vst v0  }
0xe: {  	[tilespmem:$0x1A0] =	vst v0  }
0xf: {  	[tilespmem:$0x1B0] =	vst v0  }
0x10: {  	[tilespmem:$0x1C0] =	vst v0  }
0x11: {  	[tilespmem:$0x1D0] =	vst v0  }
0x12: {  	[tilespmem:$0x1E0] =	vst v0  }
0x13: {  	[tilespmem:$0x1F0] =	vst v0  }
0x14: {  	[tilespmem:$0x200] =	vst v0  }
0x15: {  	[tilespmem:$0x210] =	vst v0  }
0x16: {  	[tilespmem:$0x220] =	vst v0  }
0x17: {  	[tilespmem:$0x230] =	vst v0  }
0x18: {  	[tilespmem:$0x240] =	vst v0  }
0x19: {  	[tilespmem:$0x250] =	vst v0  }
0x1a: {  	[tilespmem:$0x260] =	vst v0  }
0x1b: {  	[tilespmem:$0x270] =	vst v0  }
0x1c: {  	[tilespmem:$0x280] =	vst v0  }
0x1d: {  	[tilespmem:$0x290] =	vst v0  }
0x1e: {  	[tilespmem:$0x2A0] =	vst v0  }
0x1f: {  	[tilespmem:$0x2B0] =	vst v0  }
0x20: {  	[tilespmem:$0x2C0] =	vst v0  }
0x21: {  	[tilespmem:$0x2D0] =	vst v0  }
0x22: {  	[tilespmem:$0x2E0] =	vst v0  }
0x23: {  	[tilespmem:$0x2F0] =	vst v0  }
0x24: {  	[tilespmem:$0x300] =	vst v0  }
0x25: {  	[tilespmem:$0x310] =	vst v0  }
0x26: {  	[tilespmem:$0x320] =	vst v0  }
0x27: {  	[tilespmem:$0x330] =	vst v0  }
0x28: {  	[tilespmem:$0x340] =	vst v0  }
0x29: {  	[tilespmem:$0x350] =	vst v0  }
0x2a: {  	[tilespmem:$0x360] =	vst v0  }
0x2b: {  	[tilespmem:$0x370] =	vst v0  }
0x2c: {  	[tilespmem:$0x380] =	vst v0  }
0x2d: {  	[tilespmem:$0x390] =	vst v0  }
0x2e: {  	[tilespmem:$0x3A0] =	vst v0  }
0x2f: {  	[tilespmem:$0x3B0] =	vst v0  }
0x30: {  	[tilespmem:$0x3C0] =	vst v0  }
0x31: {  	[tilespmem:$0x3D0] =	vst v0  }
0x32: {  	[tilespmem:$0x3E0] =	vst v0  }
0x33: {  	[tilespmem:$0x3F0] =	vst v0  }
0x34: {  	[tilespmem:$0x400] =	vst v0  }
0x35: {  	[tilespmem:$0x410] =	vst v0  }
0x36: {  	[tilespmem:$0x420] =	vst v0  }
0x37: {  	[tilespmem:$0x430] =	vst v0  }
0x38: {  	[tilespmem:$0x440] =	vst v0  }
0x39: {  	[tilespmem:$0x450] =	vst v0  }
0x3a: {  	[tilespmem:$0x460] =	vst v0  }
0x3b: {  	[tilespmem:$0x470] =	vst v0  }
0x3c: {  	[tilespmem:$0x480] =	vst v0  }
0x3d: {  	[tilespmem:$0x490] =	vst v0  }
0x3e: {  	[tilespmem:$0x4A0] =	vst v0  }
0x3f: {  	[tilespmem:$0x4B0] =	vst v0  }
0x40: {  	[tilespmem:$0x4C0] =	vst v0  }
0x41: {  	s4 =	stileid.u32;
	[tilespmem:$0x4D0] =	vst v0  }
0x42: {  	s5 =	sshll.u32 s4, $0x5;
	[tilespmem:$0x4E0] =	vst v0  }
0x43: {  	s25 =	simm.s32 $0x1;
	s2 =	sadd.s32 s2, s5;
	[tilespmem:$0x4F0] =	vst v0  }
0x44: {  	[tilespmem:s3], [sflag:$0x1] =	stream.linear.gather [hbm4b:s2+s3], $0x100, $0x38;
	[tilespmem:$0x500] =	vst v63  }
0x45: {  	_ =	swait.ge [sflag:s25], $0x100  }
0x46: {  	[sflag:s25] =	ssyncset.done $0x0  }
0x47: {  	[sflag:s25] =	ssyncadd.s32 $0xFFFFFF00  }
0x48: {  	v63 =	vld [tilespmem:$0x0];
	_ =	sdelay $0x6  }
0x49: {  	v1 =	vimm.f32 $1.000000000e+00;
	s26 =	simm.s32 $0x100  }
0x4a: {  	[tilespmem:v63+s26+$0x0] =	vst.idx.add.f32.msk $0xffff, v1  }
0x4b: {  	v0 =	vld [tilespmem:$0x10];
	_ =	sdelay $0x7  }
0x4c: {  	[tilespmem:v0+s26+$0x0] =	vst.idx.add.f32.msk $0xffff, v1  }
0x4d: {  	v0 =	vld [tilespmem:$0x20];
	_ =	sdelay $0x7  }
0x4e: {  	[tilespmem:v0+s26+$0x0] =	vst.idx.add.f32.msk $0xffff, v1  }
0x4f: {  	v0 =	vld [tilespmem:$0x30];
	_ =	sdelay $0x7  }
0x50: {  	[tilespmem:v0+s26+$0x0] =	vst.idx.add.f32.msk $0xffff, v1  }
0x51: {  	v0 =	vld [tilespmem:$0x40];
	_ =	sdelay $0x7  }
0x52: {  	[tilespmem:v0+s26+$0x0] =	vst.idx.add.f32.msk $0xffff, v1  }
0x53: {  	v0 =	vld [tilespmem:$0x50];
	_ =	sdelay $0x7  }
0x54: {  	[tilespmem:v0+s26+$0x0] =	vst.idx.add.f32.msk $0xffff, v1  }
0x55: {  	v0 =	vld [tilespmem:$0x60];
	_ =	sdelay $0x7  }
0x56: {  	[tilespmem:v0+s26+$0x0] =	vst.idx.add.f32.msk $0xffff, v1  }
0x57: {  	v0 =	vld [tilespmem:$0x70];
	_ =	sdelay $0x7  }
0x58: {  	[tilespmem:v0+s26+$0x0] =	vst.idx.add.f32.msk $0xffff, v1  }
0x59: {  	v0 =	vld [tilespmem:$0x80];
	_ =	sdelay $0x7  }
0x5a: {  	[tilespmem:v0+s26+$0x0] =	vst.idx.add.f32.msk $0xffff, v1  }
0x5b: {  	v0 =	vld [tilespmem:$0x90];
	_ =	sdelay $0x7  }
0x5c: {  	[tilespmem:v0+s26+$0x0] =	vst.idx.add.f32.msk $0xffff, v1  }
0x5d: {  	v0 =	vld [tilespmem:$0xA0];
	_ =	sdelay $0x7  }
0x5e: {  	[tilespmem:v0+s26+$0x0] =	vst.idx.add.f32.msk $0xffff, v1  }
0x5f: {  	v0 =	vld [tilespmem:$0xB0];
	_ =	sdelay $0x7  }
0x60: {  	[tilespmem:v0+s26+$0x0] =	vst.idx.add.f32.msk $0xffff, v1  }
0x61: {  	v0 =	vld [tilespmem:$0xC0];
	_ =	sdelay $0x7  }
0x62: {  	[tilespmem:v0+s26+$0x0] =	vst.idx.add.f32.msk $0xffff, v1  }
0x63: {  	v0 =	vld [tilespmem:$0xD0];
	_ =	sdelay $0x7  }
0x64: {  	[tilespmem:v0+s26+$0x0] =	vst.idx.add.f32.msk $0xffff, v1  }
0x65: {  	v0 =	vld [tilespmem:$0xE0];
	_ =	sdelay $0x7  }
0x66: {  	[tilespmem:v0+s26+$0x0] =	vst.idx.add.f32.msk $0xffff, v1  }
0x67: {  	v0 =	vld [tilespmem:$0xF0];
	_ =	sdelay $0x3  }
0x68: {  	s28 =	sshll.u32 s4, $0x4  }
0x69: {  	s6 =	sshll.u32 s4, $0x7;
	s5 =	sand.u32 $0x70, s28  }
0x6a: {  	s29 =	sand.u32 $0x400, s6;
	s1 =	sadd.s32 s5, s1  }
0x6b: {  	s1 =	sadd.s32 s29, s1  }
0x6c: {  	s30 =	simm.s32 $0x80;
	s31 =	simm.s32 $0x400;
	s1 =	sadd.s32 $0xE00, s1;
	[tilespmem:v0+s26+$0x0] =	vst.idx.add.f32.msk $0xffff, v1  }
0x6d: {  	[hbm4b:s1+s30] =	stream.strided.scatter [tilespmem:s26], [sflag:$0x1], $0x400, s31, s30, $0x38;
	[tilespmem:$0x500] =	vst v63  }
0x6e: {  	_ =	swait.ge [sflag:s25], $0x400  }
0x6f: {  	[sflag:s25] =	ssyncset.done $0x0  }
0x70: {  	[sflag:s25] =	ssyncadd.s32 $0xFFFFFC00  }
0x71: {  	_ =	sfence.sel $0x180000  }
0x72: {  	[bflag:$0x0] =	sbarrier.arrive $0xFFFF  }
0x73: {  	p0 =	sne.s32 s4, $0x0;
	_ =	strace $0x90000047  }
0x74: {  	s0 =	sadd.s32 @!p0 $0x100000, s0;
	[bflag:$0x2] =	sbarrier.arrive $0xFFFF  }
0x75: {  	[sflag:s0] =	ssyncadd.tile.s32 @!p0 $0x1;
	_ =	shalt  }
.Lfunc_end2:
_tile_overlayer_lowered:
.L_overlay_start_2:
0x76: {  	(tag) =	ssettag $0x2  }
0x77: {  	s0 =	rddreg [dreg:$0x0];
	s2 =	stileid.u32  }
0x78: {  	s1 =	rddreg [dreg:$0x1];
	p0 =	sne.s32 s2, $0x0  }
0x79: {  	s3 =	rddreg [dreg:$0x2];
	[bflag:$0x3] =	sbarrier.arrive $0xFFFF;
	s2 =	simm.s32 @!p0 $0x1C01  }
0x7a: {  	[timem:s3], [sflag:s2] =	dma.local @!p0 [hbm:s0], s1  }
0x7b: {  	s0 =	simm.s32 @!p0 $0x1  }
0x7c: {  	_ =	swait.ge @!p0 [sflag:s0], s1  }
0x7d: {  	s1 =	ssub.s32 @!p0 $0x0, s1;
	[sflag:s0] =	ssyncset.done @!p0 $0x0  }
0x7e: {  	[sflag:s0] =	ssyncadd.s32 @!p0 s1  }
0x7f: {  	[bflag:$0x3] =	sbarrier.arrive $0xFFFF  }
0x80: {  	_ =	shalt  }

</sc_bundles>
